<compile_context>
chip_gen: v7x
topology: tpu7x:2x2x1
jax: 0.10.2.dev20260603
libtpu: 0.0.44.dev20260713+nightly
codegen_flags: <defaults>
</compile_context>

<pallas_src>
import jax
import jax.numpy as jnp
from jax.experimental import pallas as pl
from jax.experimental.pallas import tpu as pltpu
from jax.experimental.pallas import tpu_sc as plsc

_EMBED_DIM = 64
_N_EMBED = 1024
_BLOCK_M = 512
_CH = 128

_NC = 2
_NS = 16
_NW = _NC * _NS
_IDXC = 128


def _argmin_block(x_ref, emb_ref, idx_ref, e2_ref):
    x = x_ref[...]
    emb = emb_ref[...]

    @pl.when(pl.program_id(0) == 0)
    def _():
        e2_ref[...] = jnp.sum(emb * emb, axis=0, keepdims=True)

    x2 = jnp.sum(x * x, axis=1, keepdims=True)
    e2 = e2_ref[...]
    dot = jnp.dot(x, emb, preferred_element_type=jnp.float32)

    iota = jax.lax.broadcasted_iota(jnp.int32, (_BLOCK_M, _CH), 1)
    cm = (x2 - 2.0 * dot[:, 0:_CH]) + e2[:, 0:_CH]
    js = iota
    for k in range(1, _N_EMBED // _CH):
        dk = (x2 - 2.0 * dot[:, k * _CH:(k + 1) * _CH]) + e2[:, k * _CH:(k + 1) * _CH]
        lt = dk < cm
        cm = jnp.where(lt, dk, cm)
        js = jnp.where(lt, iota + (k * _CH), js)
    cmt = cm.T
    jst = js.T
    mt = jnp.min(cmt, axis=0, keepdims=True)
    idx = jnp.min(jnp.where(cmt == mt, jst, _N_EMBED), axis=0)
    idx_ref[0, 0, :] = idx


def _gather_body(table_hbm, idx_hbm, quant_hbm, idx_v, rows_v, sem):
    wid = jax.lax.axis_index("s") * _NC + jax.lax.axis_index("c")
    pltpu.sync_copy(idx_hbm.at[wid], idx_v)
    kc = idx_v.shape[0]
    for j in range(kc):
        pltpu.async_copy(table_hbm.at[idx_v.at[j]], rows_v.at[j], sem).wait()
    base = wid * kc * _IDXC
    for j in range(kc):
        pltpu.sync_copy(rows_v.at[j],
                        quant_hbm.at[pl.ds(base + j * _IDXC, _IDXC)])


def kernel(inputs, embedding):
    lead_shape = inputs.shape[:-1]
    flat = inputs.reshape(-1, _EMBED_DIM)
    n_rows = flat.shape[0]
    grid = n_rows // _BLOCK_M
    embt = embedding.T

    idx3 = pl.pallas_call(
        _argmin_block,
        grid=(grid,),
        in_specs=[
            pl.BlockSpec((_BLOCK_M, _EMBED_DIM), lambda i: (i, 0)),
            pl.BlockSpec((_EMBED_DIM, _N_EMBED), lambda i: (0, 0)),
        ],
        out_specs=pl.BlockSpec((1, 1, _BLOCK_M), lambda i: (i, 0, 0)),
        out_shape=jax.ShapeDtypeStruct((grid, 1, _BLOCK_M), jnp.int32),
        scratch_shapes=[pltpu.VMEM((1, _N_EMBED), jnp.float32)],
    )(flat, embedding)

    kc = n_rows // (_NW * _IDXC)
    idx_sc = idx3.reshape(_NW, kc, _IDXC)
    table = jnp.pad(embt, ((0, 0), (0, 2 * _EMBED_DIM - embt.shape[1])))

    sc_gather = pl.kernel(
        _gather_body,
        mesh=plsc.VectorSubcoreMesh(core_axis_name="c", subcore_axis_name="s"),
        out_type=jax.ShapeDtypeStruct((n_rows, 2 * _EMBED_DIM), jnp.float32),
        scratch_types=[
            pltpu.VMEM((kc, _IDXC), jnp.int32),
            pltpu.VMEM((kc, _IDXC, 2 * _EMBED_DIM), jnp.float32),
            pltpu.SemaphoreType.DMA,
        ],
    )
    quant = sc_gather(table, idx_sc)

    quantized = quant[:, :_EMBED_DIM].reshape(inputs.shape)
    codes_out = jnp.concatenate([inputs, quantized], axis=-1)
    encoding_indices = idx3.reshape(lead_shape)
    return (quantized, codes_out, encoding_indices)

# --- scband reference (transcript-rebuilt; emitter-appended) ---
"""Pipeline reference for scband-vector-quantizer-56513179681487 (READ-ONLY COPY).

The authoritative reference and input builder live on the scoring server;
editing this copy changes nothing except your own understanding.
"""

import jax, jax.numpy as jnp
import numpy as np

EMBED_DIM = 64
N_EMBED = 1024


def setup_inputs(seed: int = 0) -> dict:
    key = jax.random.key(seed)
    k_in, k_emb = jax.random.split(key)
    inputs = jax.random.normal(k_in, (8, 1024, EMBED_DIM), dtype=jnp.float32)
    # embedding initialized uniform(-1/n_embed, 1/n_embed), shape (embed_dim, n_embed)
    embedding = jax.random.uniform(
        k_emb, (EMBED_DIM, N_EMBED), dtype=jnp.float32,
        minval=-1.0 / N_EMBED, maxval=1.0 / N_EMBED)
    return {"inputs": inputs, "embedding": embedding}


def reference(inputs, embedding):
    embed_dim = embedding.shape[0]
    n_embed = embedding.shape[1]
    flat_inputs = inputs.reshape(-1, embed_dim)
    distances = (jnp.sum(flat_inputs ** 2, axis=1, keepdims=True)
                 - 2.0 * jnp.matmul(flat_inputs, embedding)
                 + jnp.sum(embedding ** 2, axis=0, keepdims=True))
    encoding_indices = jnp.argmax(-distances, axis=1)
    encodings = jax.nn.one_hot(encoding_indices, n_embed, dtype=distances.dtype)
    encoding_indices = encoding_indices.reshape(inputs.shape[:-1])
    # quantize: embedding lookup into transposed codebook (n_embed, embed_dim)
    quantized_raw = jnp.take(embedding.T, encoding_indices, axis=0)
    codes = jnp.concatenate([inputs, quantized_raw], axis=-1)
    # straight-through estimator
    quantized = inputs + jax.lax.stop_gradient(quantized_raw - inputs)
    avg_probs = jnp.mean(encodings, axis=0)  # computed but unused, as in original
    return (quantized, codes, encoding_indices)

if __name__ == "__main__":
    import jax
    _d = setup_inputs()
    print(jax.jit(kernel)(*tuple(_d.values())))

</pallas_src>

<mosaic_0001>
#map = affine_map<(d0, d1) -> (0, 0)>
#map1 = affine_map<(d0, d1) -> (0, 0, 0)>
module attributes {stable_mosaic.version = 14 : i64} {
  func.func @_gather_body(%arg0: i32, %arg1: i32, %arg2: memref<1024x128xf32, #tpu.memory_space<hbm>>, %arg3: memref<32x2x128xi32, #tpu.memory_space<hbm>>, %arg4: memref<8192x128xf32, #tpu.memory_space<hbm>>, %arg5: memref<2x128xi32, #tpu.memory_space<vmem>>, %arg6: memref<2x128x128xf32, #tpu.memory_space<vmem>>, %arg7: memref<!tpu.dma_semaphore, #tpu.memory_space<semaphore_mem>>) attributes {dimension_semantics = [#tpu.dimension_semantics<core_parallel>, #tpu.dimension_semantics<subcore_parallel>], iteration_bounds = array<i64: 2, 16>, scalar_prefetch = 0 : i64, scratch_operands = 3 : i64, tpu.core_type = #tpu.core_type<sc_vector_subcore>, window_params = [{transform_indices = #map}, {transform_indices = #map1}, {transform_indices = #map}]} {
    %mul3A = arith.constant 2 : i32
    %mul3A_0 = arith.muli %arg1, %mul3A : i32
    %add3A = arith.addi %mul3A_0, %arg0 : i32
    "tpu.region"() ({
      %run_scoped3A_56 = tpu.sem_alloc : memref<!tpu.dma_semaphore, #tpu.memory_space<semaphore_mem>>
      %dma_start3A_57 = arith.constant 0 : i32
      %dma_start3A_58 = arith.constant 0 : i32
      %dma_start3A_59 = tpu.memref_slice %arg3[%add3A, %dma_start3A_57, %dma_start3A_58] : memref<32x2x128xi32, #tpu.memory_space<hbm>> -> memref<1x2x128xi32, #tpu.memory_space<hbm>>
      %dma_start3A_60 = tpu.memref_squeeze %dma_start3A_59 : memref<1x2x128xi32, #tpu.memory_space<hbm>> -> memref<2x128xi32, #tpu.memory_space<hbm>>
      %dma_start3A_61 = arith.constant 0 : i32
      %dma_start3A_62 = arith.constant 0 : i32
      %dma_start3A_63 = tpu.memref_slice %arg3[%add3A, %dma_start3A_61, %dma_start3A_62] : memref<32x2x128xi32, #tpu.memory_space<hbm>> -> memref<1x2x128xi32, #tpu.memory_space<hbm>>
      %dma_start3A_64 = tpu.memref_squeeze %dma_start3A_63 : memref<1x2x128xi32, #tpu.memory_space<hbm>> -> memref<2x128xi32, #tpu.memory_space<hbm>>
      tpu.enqueue_dma source(%dma_start3A_64 : memref<2x128xi32, #tpu.memory_space<hbm>>) target(%arg5 : memref<2x128xi32, #tpu.memory_space<vmem>>) target_semaphore(%run_scoped3A_56 : memref<!tpu.dma_semaphore, #tpu.memory_space<semaphore_mem>>)
      %dma_wait3A_65 = arith.constant 0 : i32
      %dma_wait3A_66 = arith.constant 0 : i32
      %dma_wait3A_67 = tpu.memref_slice %arg3[%add3A, %dma_wait3A_65, %dma_wait3A_66] : memref<32x2x128xi32, #tpu.memory_space<hbm>> -> memref<1x2x128xi32, #tpu.memory_space<hbm>>
      %dma_wait3A_68 = tpu.memref_squeeze %dma_wait3A_67 : memref<1x2x128xi32, #tpu.memory_space<hbm>> -> memref<2x128xi32, #tpu.memory_space<hbm>>
      %dma_wait3A_69 = arith.constant 0 : i32
      %dma_wait3A_70 = arith.constant 0 : i32
      %dma_wait3A_71 = tpu.memref_slice %arg3[%add3A, %dma_wait3A_69, %dma_wait3A_70] : memref<32x2x128xi32, #tpu.memory_space<hbm>> -> memref<1x2x128xi32, #tpu.memory_space<hbm>>
      %dma_wait3A_72 = tpu.memref_squeeze %dma_wait3A_71 : memref<1x2x128xi32, #tpu.memory_space<hbm>> -> memref<2x128xi32, #tpu.memory_space<hbm>>
      tpu.wait_dma2 semaphore(%run_scoped3A_56 : memref<!tpu.dma_semaphore, #tpu.memory_space<semaphore_mem>>) src(%dma_wait3A_72 : memref<2x128xi32, #tpu.memory_space<hbm>>) dst(%arg5 : memref<2x128xi32, #tpu.memory_space<vmem>>)
      tpu.yield
    }) : () -> ()
    %dma_start3A = arith.constant 0 : i32
    %dma_start3A_1 = arith.constant 0 : i32
    %dma_start3A_2 = arith.constant 0 : i32
    %dma_start3A_3 = arith.constant 0 : i32
    %dma_start3A_4 = tpu.memref_slice %arg6[%dma_start3A_1, %dma_start3A_2, %dma_start3A_3] : memref<2x128x128xf32, #tpu.memory_space<vmem>> -> memref<1x128x128xf32, #tpu.memory_space<vmem>>
    %dma_start3A_5 = tpu.memref_squeeze %dma_start3A_4 : memref<1x128x128xf32, #tpu.memory_space<vmem>> -> memref<128x128xf32, #tpu.memory_space<vmem>>
    %dma_start3A_6 = arith.constant 0 : i32
    %dma_start3A_7 = tpu.memref_slice %arg5[%dma_start3A, %dma_start3A_6] : memref<2x128xi32, #tpu.memory_space<vmem>> -> memref<1x128xi32, #tpu.memory_space<vmem>>
    %dma_start3A_8 = tpu.memref_squeeze %dma_start3A_7 : memref<1x128xi32, #tpu.memory_space<vmem>> -> memref<128xi32, #tpu.memory_space<vmem>>
    %dma_start3A_9 = arith.constant 0 : i32
    %dma_start3A_10 = arith.constant 0 : i32
    %dma_start3A_11 = tpu.memref_slice %arg2[%dma_start3A_9, %dma_start3A_10] : memref<1024x128xf32, #tpu.memory_space<hbm>> -> memref<1024x128xf32, #tpu.memory_space<hbm>>
    tpu.enqueue_indirect_dma source(%dma_start3A_11 : memref<1024x128xf32, #tpu.memory_space<hbm>>) target(%dma_start3A_5 : memref<128x128xf32, #tpu.memory_space<vmem>>) offsets(%dma_start3A_8 : memref<128xi32, #tpu.memory_space<vmem>>) semaphore(%arg7 : memref<!tpu.dma_semaphore, #tpu.memory_space<semaphore_mem>>)
    %dma_wait3A = arith.constant 0 : i32
    %dma_wait3A_12 = arith.constant 0 : i32
    %dma_wait3A_13 = arith.constant 0 : i32
    %dma_wait3A_14 = arith.constant 0 : i32
    %dma_wait3A_15 = tpu.memref_slice %arg6[%dma_wait3A_12, %dma_wait3A_13, %dma_wait3A_14] : memref<2x128x128xf32, #tpu.memory_space<vmem>> -> memref<1x128x128xf32, #tpu.memory_space<vmem>>
    %dma_wait3A_16 = tpu.memref_squeeze %dma_wait3A_15 : memref<1x128x128xf32, #tpu.memory_space<vmem>> -> memref<128x128xf32, #tpu.memory_space<vmem>>
    %dma_wait3A_17 = arith.constant 0 : i32
    %dma_wait3A_18 = tpu.memref_slice %arg5[%dma_wait3A, %dma_wait3A_17] : memref<2x128xi32, #tpu.memory_space<vmem>> -> memref<1x128xi32, #tpu.memory_space<vmem>>
    %dma_wait3A_19 = tpu.memref_squeeze %dma_wait3A_18 : memref<1x128xi32, #tpu.memory_space<vmem>> -> memref<128xi32, #tpu.memory_space<vmem>>
    %dma_wait3A_20 = arith.constant 0 : i32
    %dma_wait3A_21 = arith.constant 0 : i32
    %dma_wait3A_22 = tpu.memref_slice %arg2[%dma_wait3A_20, %dma_wait3A_21] : memref<1024x128xf32, #tpu.memory_space<hbm>> -> memref<1024x128xf32, #tpu.memory_space<hbm>>
    tpu.wait_indirect_dma semaphore(%arg7 : memref<!tpu.dma_semaphore, #tpu.memory_space<semaphore_mem>>) src(%dma_wait3A_22 : memref<1024x128xf32, #tpu.memory_space<hbm>>) dst(%dma_wait3A_16 : memref<128x128xf32, #tpu.memory_space<vmem>>)
    %dma_start3A_23 = arith.constant 1 : i32
    %dma_start3A_24 = arith.constant 1 : i32
    %dma_start3A_25 = arith.constant 0 : i32
    %dma_start3A_26 = arith.constant 0 : i32
    %dma_start3A_27 = tpu.memref_slice %arg6[%dma_start3A_24, %dma_start3A_25, %dma_start3A_26] : memref<2x128x128xf32, #tpu.memory_space<vmem>> -> memref<1x128x128xf32, #tpu.memory_space<vmem>>
    %dma_start3A_28 = tpu.memref_squeeze %dma_start3A_27 : memref<1x128x128xf32, #tpu.memory_space<vmem>> -> memref<128x128xf32, #tpu.memory_space<vmem>>
    %dma_start3A_29 = arith.constant 0 : i32
    %dma_start3A_30 = tpu.memref_slice %arg5[%dma_start3A_23, %dma_start3A_29] : memref<2x128xi32, #tpu.memory_space<vmem>> -> memref<1x128xi32, #tpu.memory_space<vmem>>
    %dma_start3A_31 = tpu.memref_squeeze %dma_start3A_30 : memref<1x128xi32, #tpu.memory_space<vmem>> -> memref<128xi32, #tpu.memory_space<vmem>>
    %dma_start3A_32 = arith.constant 0 : i32
    %dma_start3A_33 = arith.constant 0 : i32
    %dma_start3A_34 = tpu.memref_slice %arg2[%dma_start3A_32, %dma_start3A_33] : memref<1024x128xf32, #tpu.memory_space<hbm>> -> memref<1024x128xf32, #tpu.memory_space<hbm>>
    tpu.enqueue_indirect_dma source(%dma_start3A_34 : memref<1024x128xf32, #tpu.memory_space<hbm>>) target(%dma_start3A_28 : memref<128x128xf32, #tpu.memory_space<vmem>>) offsets(%dma_start3A_31 : memref<128xi32, #tpu.memory_space<vmem>>) semaphore(%arg7 : memref<!tpu.dma_semaphore, #tpu.memory_space<semaphore_mem>>)
    %dma_wait3A_35 = arith.constant 1 : i32
    %dma_wait3A_36 = arith.constant 1 : i32
    %dma_wait3A_37 = arith.constant 0 : i32
    %dma_wait3A_38 = arith.constant 0 : i32
    %dma_wait3A_39 = tpu.memref_slice %arg6[%dma_wait3A_36, %dma_wait3A_37, %dma_wait3A_38] : memref<2x128x128xf32, #tpu.memory_space<vmem>> -> memref<1x128x128xf32, #tpu.memory_space<vmem>>
    %dma_wait3A_40 = tpu.memref_squeeze %dma_wait3A_39 : memref<1x128x128xf32, #tpu.memory_space<vmem>> -> memref<128x128xf32, #tpu.memory_space<vmem>>
    %dma_wait3A_41 = arith.constant 0 : i32
    %dma_wait3A_42 = tpu.memref_slice %arg5[%dma_wait3A_35, %dma_wait3A_41] : memref<2x128xi32, #tpu.memory_space<vmem>> -> memref<1x128xi32, #tpu.memory_space<vmem>>
    %dma_wait3A_43 = tpu.memref_squeeze %dma_wait3A_42 : memref<1x128xi32, #tpu.memory_space<vmem>> -> memref<128xi32, #tpu.memory_space<vmem>>
    %dma_wait3A_44 = arith.constant 0 : i32
    %dma_wait3A_45 = arith.constant 0 : i32
    %dma_wait3A_46 = tpu.memref_slice %arg2[%dma_wait3A_44, %dma_wait3A_45] : memref<1024x128xf32, #tpu.memory_space<hbm>> -> memref<1024x128xf32, #tpu.memory_space<hbm>>
    tpu.wait_indirect_dma semaphore(%arg7 : memref<!tpu.dma_semaphore, #tpu.memory_space<semaphore_mem>>) src(%dma_wait3A_46 : memref<1024x128xf32, #tpu.memory_space<hbm>>) dst(%dma_wait3A_40 : memref<128x128xf32, #tpu.memory_space<vmem>>)
    %mul3A_47 = arith.constant 2 : i32
    %mul3A_48 = arith.muli %add3A, %mul3A_47 : i32
    %mul3A_49 = arith.constant 128 : i32
    %mul3A_50 = arith.muli %mul3A_48, %mul3A_49 : i32
    %add3A_51 = arith.constant 0 : i32
    %add3A_52 = arith.addi %mul3A_50, %add3A_51 : i32
    %run_scoped3A = arith.constant 0 : i32
    "tpu.region"() ({
      %run_scoped3A_56 = tpu.sem_alloc : memref<!tpu.dma_semaphore, #tpu.memory_space<semaphore_mem>>
      %dma_start3A_57 = arith.constant 0 : i32
      %dma_start3A_58 = arith.constant 0 : i32
      %dma_start3A_59 = tpu.memref_slice %arg6[%run_scoped3A, %dma_start3A_57, %dma_start3A_58] : memref<2x128x128xf32, #tpu.memory_space<vmem>> -> memref<1x128x128xf32, #tpu.memory_space<vmem>>
      %dma_start3A_60 = tpu.memref_squeeze %dma_start3A_59 : memref<1x128x128xf32, #tpu.memory_space<vmem>> -> memref<128x128xf32, #tpu.memory_space<vmem>>
      %dma_start3A_61 = arith.constant 0 : i32
      %dma_start3A_62 = tpu.memref_slice %arg4[%add3A_52, %dma_start3A_61] : memref<8192x128xf32, #tpu.memory_space<hbm>> -> memref<128x128xf32, #tpu.memory_space<hbm>>
      %dma_start3A_63 = arith.constant 0 : i32
      %dma_start3A_64 = tpu.memref_slice %arg4[%add3A_52, %dma_start3A_63] : memref<8192x128xf32, #tpu.memory_space<hbm>> -> memref<128x128xf32, #tpu.memory_space<hbm>>
      %dma_start3A_65 = arith.constant 0 : i32
      %dma_start3A_66 = arith.constant 0 : i32
      %dma_start3A_67 = tpu.memref_slice %arg6[%run_scoped3A, %dma_start3A_65, %dma_start3A_66] : memref<2x128x128xf32, #tpu.memory_space<vmem>> -> memref<1x128x128xf32, #tpu.memory_space<vmem>>
      %dma_start3A_68 = tpu.memref_squeeze %dma_start3A_67 : memref<1x128x128xf32, #tpu.memory_space<vmem>> -> memref<128x128xf32, #tpu.memory_space<vmem>>
      tpu.enqueue_dma source(%dma_start3A_68 : memref<128x128xf32, #tpu.memory_space<vmem>>) target(%dma_start3A_64 : memref<128x128xf32, #tpu.memory_space<hbm>>) target_semaphore(%run_scoped3A_56 : memref<!tpu.dma_semaphore, #tpu.memory_space<semaphore_mem>>)
      %dma_wait3A_69 = arith.constant 0 : i32
      %dma_wait3A_70 = arith.constant 0 : i32
      %dma_wait3A_71 = tpu.memref_slice %arg6[%run_scoped3A, %dma_wait3A_69, %dma_wait3A_70] : memref<2x128x128xf32, #tpu.memory_space<vmem>> -> memref<1x128x128xf32, #tpu.memory_space<vmem>>
      %dma_wait3A_72 = tpu.memref_squeeze %dma_wait3A_71 : memref<1x128x128xf32, #tpu.memory_space<vmem>> -> memref<128x128xf32, #tpu.memory_space<vmem>>
      %dma_wait3A_73 = arith.constant 0 : i32
      %dma_wait3A_74 = tpu.memref_slice %arg4[%add3A_52, %dma_wait3A_73] : memref<8192x128xf32, #tpu.memory_space<hbm>> -> memref<128x128xf32, #tpu.memory_space<hbm>>
      %dma_wait3A_75 = arith.constant 0 : i32
      %dma_wait3A_76 = tpu.memref_slice %arg4[%add3A_52, %dma_wait3A_75] : memref<8192x128xf32, #tpu.memory_space<hbm>> -> memref<128x128xf32, #tpu.memory_space<hbm>>
      %dma_wait3A_77 = arith.constant 0 : i32
      %dma_wait3A_78 = arith.constant 0 : i32
      %dma_wait3A_79 = tpu.memref_slice %arg6[%run_scoped3A, %dma_wait3A_77, %dma_wait3A_78] : memref<2x128x128xf32, #tpu.memory_space<vmem>> -> memref<1x128x128xf32, #tpu.memory_space<vmem>>
      %dma_wait3A_80 = tpu.memref_squeeze %dma_wait3A_79 : memref<1x128x128xf32, #tpu.memory_space<vmem>> -> memref<128x128xf32, #tpu.memory_space<vmem>>
      tpu.wait_dma2 semaphore(%run_scoped3A_56 : memref<!tpu.dma_semaphore, #tpu.memory_space<semaphore_mem>>) src(%dma_wait3A_80 : memref<128x128xf32, #tpu.memory_space<vmem>>) dst(%dma_wait3A_76 : memref<128x128xf32, #tpu.memory_space<hbm>>)
      tpu.yield
    }) : () -> ()
    %add3A_53 = arith.constant 128 : i32
    %add3A_54 = arith.addi %mul3A_50, %add3A_53 : i32
    %run_scoped3A_55 = arith.constant 1 : i32
    "tpu.region"() ({
      %run_scoped3A_56 = tpu.sem_alloc : memref<!tpu.dma_semaphore, #tpu.memory_space<semaphore_mem>>
      %dma_start3A_57 = arith.constant 0 : i32
      %dma_start3A_58 = arith.constant 0 : i32
      %dma_start3A_59 = tpu.memref_slice %arg6[%run_scoped3A_55, %dma_start3A_57, %dma_start3A_58] : memref<2x128x128xf32, #tpu.memory_space<vmem>> -> memref<1x128x128xf32, #tpu.memory_space<vmem>>
      %dma_start3A_60 = tpu.memref_squeeze %dma_start3A_59 : memref<1x128x128xf32, #tpu.memory_space<vmem>> -> memref<128x128xf32, #tpu.memory_space<vmem>>
      %dma_start3A_61 = arith.constant 0 : i32
      %dma_start3A_62 = tpu.memref_slice %arg4[%add3A_54, %dma_start3A_61] : memref<8192x128xf32, #tpu.memory_space<hbm>> -> memref<128x128xf32, #tpu.memory_space<hbm>>
      %dma_start3A_63 = arith.constant 0 : i32
      %dma_start3A_64 = tpu.memref_slice %arg4[%add3A_54, %dma_start3A_63] : memref<8192x128xf32, #tpu.memory_space<hbm>> -> memref<128x128xf32, #tpu.memory_space<hbm>>
      %dma_start3A_65 = arith.constant 0 : i32
      %dma_start3A_66 = arith.constant 0 : i32
      %dma_start3A_67 = tpu.memref_slice %arg6[%run_scoped3A_55, %dma_start3A_65, %dma_start3A_66] : memref<2x128x128xf32, #tpu.memory_space<vmem>> -> memref<1x128x128xf32, #tpu.memory_space<vmem>>
      %dma_start3A_68 = tpu.memref_squeeze %dma_start3A_67 : memref<1x128x128xf32, #tpu.memory_space<vmem>> -> memref<128x128xf32, #tpu.memory_space<vmem>>
      tpu.enqueue_dma source(%dma_start3A_68 : memref<128x128xf32, #tpu.memory_space<vmem>>) target(%dma_start3A_64 : memref<128x128xf32, #tpu.memory_space<hbm>>) target_semaphore(%run_scoped3A_56 : memref<!tpu.dma_semaphore, #tpu.memory_space<semaphore_mem>>)
      %dma_wait3A_69 = arith.constant 0 : i32
      %dma_wait3A_70 = arith.constant 0 : i32
      %dma_wait3A_71 = tpu.memref_slice %arg6[%run_scoped3A_55, %dma_wait3A_69, %dma_wait3A_70] : memref<2x128x128xf32, #tpu.memory_space<vmem>> -> memref<1x128x128xf32, #tpu.memory_space<vmem>>
      %dma_wait3A_72 = tpu.memref_squeeze %dma_wait3A_71 : memref<1x128x128xf32, #tpu.memory_space<vmem>> -> memref<128x128xf32, #tpu.memory_space<vmem>>
      %dma_wait3A_73 = arith.constant 0 : i32
      %dma_wait3A_74 = tpu.memref_slice %arg4[%add3A_54, %dma_wait3A_73] : memref<8192x128xf32, #tpu.memory_space<hbm>> -> memref<128x128xf32, #tpu.memory_space<hbm>>
      %dma_wait3A_75 = arith.constant 0 : i32
      %dma_wait3A_76 = tpu.memref_slice %arg4[%add3A_54, %dma_wait3A_75] : memref<8192x128xf32, #tpu.memory_space<hbm>> -> memref<128x128xf32, #tpu.memory_space<hbm>>
      %dma_wait3A_77 = arith.constant 0 : i32
      %dma_wait3A_78 = arith.constant 0 : i32
      %dma_wait3A_79 = tpu.memref_slice %arg6[%run_scoped3A_55, %dma_wait3A_77, %dma_wait3A_78] : memref<2x128x128xf32, #tpu.memory_space<vmem>> -> memref<1x128x128xf32, #tpu.memory_space<vmem>>
      %dma_wait3A_80 = tpu.memref_squeeze %dma_wait3A_79 : memref<1x128x128xf32, #tpu.memory_space<vmem>> -> memref<128x128xf32, #tpu.memory_space<vmem>>
      tpu.wait_dma2 semaphore(%run_scoped3A_56 : memref<!tpu.dma_semaphore, #tpu.memory_space<semaphore_mem>>) src(%dma_wait3A_80 : memref<128x128xf32, #tpu.memory_space<vmem>>) dst(%dma_wait3A_76 : memref<128x128xf32, #tpu.memory_space<hbm>>)
      tpu.yield
    }) : () -> ()
    return
  }
}

module attributes {stable_mosaic.version = 14 : i64} {
  func.func @_argmin_block(%arg0: i32, %arg1: memref<512x64xf32, #tpu.memory_space<vmem>>, %arg2: memref<64x1024xf32, #tpu.memory_space<vmem>>, %arg3: memref<1x1x512xi32, #tpu.memory_space<vmem>>, %arg4: memref<1x1024xf32, #tpu.memory_space<vmem>>) attributes {dimension_semantics = [#tpu.dimension_semantics<arbitrary>], iteration_bounds = array<i64: 16>, scalar_prefetch = 0 : i64, scratch_operands = 1 : i64, tpu.core_type = #tpu.core_type<tc>, window_params = [{transform_indices = @transform_0, window_bounds = array<i64: 512, 64>}, {pipeline_mode = #tpu.pipeline_mode<synchronous>, transform_indices = @transform_1, window_bounds = array<i64: 64, 1024>}, {transform_indices = @transform_2, window_bounds = array<i64: 1, 1, 512>}]} {
    %get3A = arith.constant 0 : index
    %get3A_0 = arith.constant 0 : index
    %get3A_1 = vector.load %arg1[%get3A, %get3A_0] : memref<512x64xf32, #tpu.memory_space<vmem>>, vector<512x64xf32>
    %get3A_2 = arith.constant 0 : index
    %get3A_3 = arith.constant 0 : index
    %get3A_4 = vector.load %arg2[%get3A_2, %get3A_3] : memref<64x1024xf32, #tpu.memory_space<vmem>>, vector<64x1024xf32>
    %eq3A = arith.constant 0 : i32
    %eq3A_5 = arith.cmpi eq, %arg0, %eq3A : i32
    %convert_element_type3A = arith.extui %eq3A_5 : i1 to i32
    %cond3A = arith.constant 0 : i32
    %cond3A_6 = arith.cmpi ne, %convert_element_type3A, %cond3A : i32
    scf.if %cond3A_6 {
      %mul3A_135 = arith.mulf %get3A_4, %get3A_4 : vector<64x1024xf32>
      %reduce_sum3A_136 = arith.constant dense<0.000000e+00> : vector<1024xf32>
      %reduce_sum3A_137 = vector.multi_reduction <add>, %mul3A_135, %reduce_sum3A_136 [0] : vector<64x1024xf32> to vector<1024xf32>
      %broadcast_in_dim3A_138 = vector.shape_cast %reduce_sum3A_137 : vector<1024xf32> to vector<1x1024xf32>
      %swap3A_139 = arith.constant 0 : index
      %swap3A_140 = arith.constant 0 : index
      %swap3A_141 = vector.load %arg4[%swap3A_139, %swap3A_140] : memref<1x1024xf32, #tpu.memory_space<vmem>>, vector<1x1024xf32>
      tpu.vector_store %arg4[%swap3A_139, %swap3A_140], %broadcast_in_dim3A_138 {strides = array<i32>} : memref<1x1024xf32, #tpu.memory_space<vmem>>, vector<1x1024xf32>,
    } else {
    }
    %mul3A = arith.mulf %get3A_1, %get3A_1 : vector<512x64xf32>
    %reduce_sum3A = arith.constant dense<0.000000e+00> : vector<512xf32>
    %reduce_sum3A_7 = vector.multi_reduction <add>, %mul3A, %reduce_sum3A [1] : vector<512x64xf32> to vector<512xf32>
    %broadcast_in_dim3A = vector.shape_cast %reduce_sum3A_7 : vector<512xf32> to vector<512x1xf32>
    %get3A_8 = arith.constant 0 : index
    %get3A_9 = arith.constant 0 : index
    %get3A_10 = vector.load %arg4[%get3A_8, %get3A_9] : memref<1x1024xf32, #tpu.memory_space<vmem>>, vector<1x1024xf32>
    %dot_general3A = arith.constant dense<0.000000e+00> : vector<512x1024xf32>
    %dot_general3A_11 = tpu.matmul %get3A_1, %get3A_4, %dot_general3A {dimension_numbers = #tpu.dot_dimension_numbers<[1], [0], [0], [1], [0, 0, 1, 1], [], []>, transpose_lhs_hint = false} : vector<512x64xf32>, vector<64x1024xf32>, vector<512x1024xf32> -> vector<512x1024xf32>
    %iota3A = tpu.iota {dimensions = array<i32: 1>} : vector<512x128xi32>
    %slice3A = vector.extract_strided_slice %dot_general3A_11 {offsets = [0, 0], sizes = [512, 128], strides = [1, 1]} : vector<512x1024xf32> to vector<512x128xf32>
    %mul3A_12 = arith.constant 2.000000e+00 : f32
    %mul3A_13 = vector.broadcast %mul3A_12 : f32 to vector<512x128xf32>
    %mul3A_14 = arith.mulf %mul3A_13, %slice3A : vector<512x128xf32>
    %sub3A = vector.broadcast %broadcast_in_dim3A : vector<512x1xf32> to vector<512x128xf32>
    %sub3A_15 = arith.subf %sub3A, %mul3A_14 : vector<512x128xf32>
    %slice3A_16 = vector.extract_strided_slice %get3A_10 {offsets = [0, 0], sizes = [1, 128], strides = [1, 1]} : vector<1x1024xf32> to vector<1x128xf32>
    %add3A = vector.broadcast %slice3A_16 : vector<1x128xf32> to vector<512x128xf32>
    %add3A_17 = arith.addf %sub3A_15, %add3A : vector<512x128xf32>
    %slice3A_18 = vector.extract_strided_slice %dot_general3A_11 {offsets = [0, 128], sizes = [512, 128], strides = [1, 1]} : vector<512x1024xf32> to vector<512x128xf32>
    %mul3A_19 = arith.constant 2.000000e+00 : f32
    %mul3A_20 = vector.broadcast %mul3A_19 : f32 to vector<512x128xf32>
    %mul3A_21 = arith.mulf %mul3A_20, %slice3A_18 : vector<512x128xf32>
    %sub3A_22 = vector.broadcast %broadcast_in_dim3A : vector<512x1xf32> to vector<512x128xf32>
    %sub3A_23 = arith.subf %sub3A_22, %mul3A_21 : vector<512x128xf32>
    %slice3A_24 = vector.extract_strided_slice %get3A_10 {offsets = [0, 128], sizes = [1, 128], strides = [1, 1]} : vector<1x1024xf32> to vector<1x128xf32>
    %add3A_25 = vector.broadcast %slice3A_24 : vector<1x128xf32> to vector<512x128xf32>
    %add3A_26 = arith.addf %sub3A_23, %add3A_25 : vector<512x128xf32>
    %lt3A = arith.cmpf olt, %add3A_26, %add3A_17 : vector<512x128xf32>
    %select_n3A = arith.select %lt3A, %add3A_26, %add3A_17 : vector<512x128xi1>, vector<512x128xf32>
    %add3A_27 = arith.constant 128 : i32
    %add3A_28 = vector.broadcast %add3A_27 : i32 to vector<512x128xi32>
    %add3A_29 = arith.addi %iota3A, %add3A_28 : vector<512x128xi32>
    %select_n3A_30 = arith.select %lt3A, %add3A_29, %iota3A : vector<512x128xi1>, vector<512x128xi32>
    %slice3A_31 = vector.extract_strided_slice %dot_general3A_11 {offsets = [0, 256], sizes = [512, 128], strides = [1, 1]} : vector<512x1024xf32> to vector<512x128xf32>
    %mul3A_32 = arith.constant 2.000000e+00 : f32
    %mul3A_33 = vector.broadcast %mul3A_32 : f32 to vector<512x128xf32>
    %mul3A_34 = arith.mulf %mul3A_33, %slice3A_31 : vector<512x128xf32>
    %sub3A_35 = vector.broadcast %broadcast_in_dim3A : vector<512x1xf32> to vector<512x128xf32>
    %sub3A_36 = arith.subf %sub3A_35, %mul3A_34 : vector<512x128xf32>
    %slice3A_37 = vector.extract_strided_slice %get3A_10 {offsets = [0, 256], sizes = [1, 128], strides = [1, 1]} : vector<1x1024xf32> to vector<1x128xf32>
    %add3A_38 = vector.broadcast %slice3A_37 : vector<1x128xf32> to vector<512x128xf32>
    %add3A_39 = arith.addf %sub3A_36, %add3A_38 : vector<512x128xf32>
    %lt3A_40 = arith.cmpf olt, %add3A_39, %select_n3A : vector<512x128xf32>
    %select_n3A_41 = arith.select %lt3A_40, %add3A_39, %select_n3A : vector<512x128xi1>, vector<512x128xf32>
    %add3A_42 = arith.constant 256 : i32
    %add3A_43 = vector.broadcast %add3A_42 : i32 to vector<512x128xi32>
    %add3A_44 = arith.addi %iota3A, %add3A_43 : vector<512x128xi32>
    %select_n3A_45 = arith.select %lt3A_40, %add3A_44, %select_n3A_30 : vector<512x128xi1>, vector<512x128xi32>
    %slice3A_46 = vector.extract_strided_slice %dot_general3A_11 {offsets = [0, 384], sizes = [512, 128], strides = [1, 1]} : vector<512x1024xf32> to vector<512x128xf32>
    %mul3A_47 = arith.constant 2.000000e+00 : f32
    %mul3A_48 = vector.broadcast %mul3A_47 : f32 to vector<512x128xf32>
    %mul3A_49 = arith.mulf %mul3A_48, %slice3A_46 : vector<512x128xf32>
    %sub3A_50 = vector.broadcast %broadcast_in_dim3A : vector<512x1xf32> to vector<512x128xf32>
    %sub3A_51 = arith.subf %sub3A_50, %mul3A_49 : vector<512x128xf32>
    %slice3A_52 = vector.extract_strided_slice %get3A_10 {offsets = [0, 384], sizes = [1, 128], strides = [1, 1]} : vector<1x1024xf32> to vector<1x128xf32>
    %add3A_53 = vector.broadcast %slice3A_52 : vector<1x128xf32> to vector<512x128xf32>
    %add3A_54 = arith.addf %sub3A_51, %add3A_53 : vector<512x128xf32>
    %lt3A_55 = arith.cmpf olt, %add3A_54, %select_n3A_41 : vector<512x128xf32>
    %select_n3A_56 = arith.select %lt3A_55, %add3A_54, %select_n3A_41 : vector<512x128xi1>, vector<512x128xf32>
    %add3A_57 = arith.constant 384 : i32
    %add3A_58 = vector.broadcast %add3A_57 : i32 to vector<512x128xi32>
    %add3A_59 = arith.addi %iota3A, %add3A_58 : vector<512x128xi32>
    %select_n3A_60 = arith.select %lt3A_55, %add3A_59, %select_n3A_45 : vector<512x128xi1>, vector<512x128xi32>
    %slice3A_61 = vector.extract_strided_slice %dot_general3A_11 {offsets = [0, 512], sizes = [512, 128], strides = [1, 1]} : vector<512x1024xf32> to vector<512x128xf32>
    %mul3A_62 = arith.constant 2.000000e+00 : f32
    %mul3A_63 = vector.broadcast %mul3A_62 : f32 to vector<512x128xf32>
    %mul3A_64 = arith.mulf %mul3A_63, %slice3A_61 : vector<512x128xf32>
    %sub3A_65 = vector.broadcast %broadcast_in_dim3A : vector<512x1xf32> to vector<512x128xf32>
    %sub3A_66 = arith.subf %sub3A_65, %mul3A_64 : vector<512x128xf32>
    %slice3A_67 = vector.extract_strided_slice %get3A_10 {offsets = [0, 512], sizes = [1, 128], strides = [1, 1]} : vector<1x1024xf32> to vector<1x128xf32>
    %add3A_68 = vector.broadcast %slice3A_67 : vector<1x128xf32> to vector<512x128xf32>
    %add3A_69 = arith.addf %sub3A_66, %add3A_68 : vector<512x128xf32>
    %lt3A_70 = arith.cmpf olt, %add3A_69, %select_n3A_56 : vector<512x128xf32>
    %select_n3A_71 = arith.select %lt3A_70, %add3A_69, %select_n3A_56 : vector<512x128xi1>, vector<512x128xf32>
    %add3A_72 = arith.constant 512 : i32
    %add3A_73 = vector.broadcast %add3A_72 : i32 to vector<512x128xi32>
    %add3A_74 = arith.addi %iota3A, %add3A_73 : vector<512x128xi32>
    %select_n3A_75 = arith.select %lt3A_70, %add3A_74, %select_n3A_60 : vector<512x128xi1>, vector<512x128xi32>
    %slice3A_76 = vector.extract_strided_slice %dot_general3A_11 {offsets = [0, 640], sizes = [512, 128], strides = [1, 1]} : vector<512x1024xf32> to vector<512x128xf32>
    %mul3A_77 = arith.constant 2.000000e+00 : f32
    %mul3A_78 = vector.broadcast %mul3A_77 : f32 to vector<512x128xf32>
    %mul3A_79 = arith.mulf %mul3A_78, %slice3A_76 : vector<512x128xf32>
    %sub3A_80 = vector.broadcast %broadcast_in_dim3A : vector<512x1xf32> to vector<512x128xf32>
    %sub3A_81 = arith.subf %sub3A_80, %mul3A_79 : vector<512x128xf32>
    %slice3A_82 = vector.extract_strided_slice %get3A_10 {offsets = [0, 640], sizes = [1, 128], strides = [1, 1]} : vector<1x1024xf32> to vector<1x128xf32>
    %add3A_83 = vector.broadcast %slice3A_82 : vector<1x128xf32> to vector<512x128xf32>
    %add3A_84 = arith.addf %sub3A_81, %add3A_83 : vector<512x128xf32>
    %lt3A_85 = arith.cmpf olt, %add3A_84, %select_n3A_71 : vector<512x128xf32>
    %select_n3A_86 = arith.select %lt3A_85, %add3A_84, %select_n3A_71 : vector<512x128xi1>, vector<512x128xf32>
    %add3A_87 = arith.constant 640 : i32
    %add3A_88 = vector.broadcast %add3A_87 : i32 to vector<512x128xi32>
    %add3A_89 = arith.addi %iota3A, %add3A_88 : vector<512x128xi32>
    %select_n3A_90 = arith.select %lt3A_85, %add3A_89, %select_n3A_75 : vector<512x128xi1>, vector<512x128xi32>
    %slice3A_91 = vector.extract_strided_slice %dot_general3A_11 {offsets = [0, 768], sizes = [512, 128], strides = [1, 1]} : vector<512x1024xf32> to vector<512x128xf32>
    %mul3A_92 = arith.constant 2.000000e+00 : f32
    %mul3A_93 = vector.broadcast %mul3A_92 : f32 to vector<512x128xf32>
    %mul3A_94 = arith.mulf %mul3A_93, %slice3A_91 : vector<512x128xf32>
    %sub3A_95 = vector.broadcast %broadcast_in_dim3A : vector<512x1xf32> to vector<512x128xf32>
    %sub3A_96 = arith.subf %sub3A_95, %mul3A_94 : vector<512x128xf32>
    %slice3A_97 = vector.extract_strided_slice %get3A_10 {offsets = [0, 768], sizes = [1, 128], strides = [1, 1]} : vector<1x1024xf32> to vector<1x128xf32>
    %add3A_98 = vector.broadcast %slice3A_97 : vector<1x128xf32> to vector<512x128xf32>
    %add3A_99 = arith.addf %sub3A_96, %add3A_98 : vector<512x128xf32>
    %lt3A_100 = arith.cmpf olt, %add3A_99, %select_n3A_86 : vector<512x128xf32>
    %select_n3A_101 = arith.select %lt3A_100, %add3A_99, %select_n3A_86 : vector<512x128xi1>, vector<512x128xf32>
    %add3A_102 = arith.constant 768 : i32
    %add3A_103 = vector.broadcast %add3A_102 : i32 to vector<512x128xi32>
    %add3A_104 = arith.addi %iota3A, %add3A_103 : vector<512x128xi32>
    %select_n3A_105 = arith.select %lt3A_100, %add3A_104, %select_n3A_90 : vector<512x128xi1>, vector<512x128xi32>
    %slice3A_106 = vector.extract_strided_slice %dot_general3A_11 {offsets = [0, 896], sizes = [512, 128], strides = [1, 1]} : vector<512x1024xf32> to vector<512x128xf32>
    %mul3A_107 = arith.constant 2.000000e+00 : f32
    %mul3A_108 = vector.broadcast %mul3A_107 : f32 to vector<512x128xf32>
    %mul3A_109 = arith.mulf %mul3A_108, %slice3A_106 : vector<512x128xf32>
    %sub3A_110 = vector.broadcast %broadcast_in_dim3A : vector<512x1xf32> to vector<512x128xf32>
    %sub3A_111 = arith.subf %sub3A_110, %mul3A_109 : vector<512x128xf32>
    %slice3A_112 = vector.extract_strided_slice %get3A_10 {offsets = [0, 896], sizes = [1, 128], strides = [1, 1]} : vector<1x1024xf32> to vector<1x128xf32>
    %add3A_113 = vector.broadcast %slice3A_112 : vector<1x128xf32> to vector<512x128xf32>
    %add3A_114 = arith.addf %sub3A_111, %add3A_113 : vector<512x128xf32>
    %lt3A_115 = arith.cmpf olt, %add3A_114, %select_n3A_101 : vector<512x128xf32>
    %select_n3A_116 = arith.select %lt3A_115, %add3A_114, %select_n3A_101 : vector<512x128xi1>, vector<512x128xf32>
    %add3A_117 = arith.constant 896 : i32
    %add3A_118 = vector.broadcast %add3A_117 : i32 to vector<512x128xi32>
    %add3A_119 = arith.addi %iota3A, %add3A_118 : vector<512x128xi32>
    %select_n3A_120 = arith.select %lt3A_115, %add3A_119, %select_n3A_105 : vector<512x128xi1>, vector<512x128xi32>
    %transpose3A = tpu.transpose %select_n3A_116, [1, 0] : vector<512x128xf32> -> vector<128x512xf32>
    %transpose3A_121 = tpu.transpose %select_n3A_120, [1, 0] : vector<512x128xi32> -> vector<128x512xi32>
    %reduce_min3A = arith.constant dense<0x7F800000> : vector<512xf32>
    %reduce_min3A_122 = vector.multi_reduction <minimumf>, %transpose3A, %reduce_min3A [0] : vector<128x512xf32> to vector<512xf32>
    %broadcast_in_dim3A_123 = vector.shape_cast %reduce_min3A_122 : vector<512xf32> to vector<1x512xf32>
    %eq3A_124 = vector.broadcast %broadcast_in_dim3A_123 : vector<1x512xf32> to vector<128x512xf32>
    %eq3A_125 = arith.cmpf oeq, %transpose3A, %eq3A_124 : vector<128x512xf32>
    %jit3A = arith.constant 1024 : i32
    %broadcast_in_dim3A_126 = vector.broadcast %jit3A : i32 to vector<128x512xi32>
    %select_n3A_127 = arith.select %eq3A_125, %transpose3A_121, %broadcast_in_dim3A_126 : vector<128x512xi1>, vector<128x512xi32>
    %reduce_min3A_128 = arith.constant dense<2147483647> : vector<512xi32>
    %reduce_min3A_129 = vector.multi_reduction <minsi>, %select_n3A_127, %reduce_min3A_128 [0] : vector<128x512xi32> to vector<512xi32>
    %swap3A = arith.constant 0 : index
    %swap3A_130 = arith.constant 0 : index
    %swap3A_131 = arith.constant 0 : index
    %swap3A_132 = vector.load %arg3[%swap3A, %swap3A_130, %swap3A_131] : memref<1x1x512xi32, #tpu.memory_space<vmem>>, vector<1x1x512xi32>
    %swap3A_133 = vector.shape_cast %swap3A_132 : vector<1x1x512xi32> to vector<512xi32>
    %swap3A_134 = vector.shape_cast %reduce_min3A_129 : vector<512xi32> to vector<1x1x512xi32>
    tpu.vector_store %arg3[%swap3A, %swap3A_130, %swap3A_131], %swap3A_134 {strides = array<i32>} : memref<1x1x512xi32, #tpu.memory_space<vmem>>, vector<1x1x512xi32>,
    return
  }
  func.func @transform_0(%arg0: i32) -> (i32, i32) {
    %c0_i32 = arith.constant 0 : i32
    %c0_i32_0 = arith.constant 0 : i32
    return %arg0, %c0_i32 : i32, i32
  }
  func.func @transform_1(%arg0: i32) -> (i32, i32) {
    %c0_i32 = arith.constant 0 : i32
    %c0_i32_0 = arith.constant 0 : i32
    %c0_i32_1 = arith.constant 0 : i32
    return %c0_i32, %c0_i32_0 : i32, i32
  }
  func.func @transform_2(%arg0: i32) -> (i32, i32, i32) {
    %c0_i32 = arith.constant 0 : i32
    %c0_i32_0 = arith.constant 0 : i32
    %c0_i32_1 = arith.constant 0 : i32
    return %arg0, %c0_i32, %c0_i32_0 : i32, i32, i32
  }
}

</mosaic_0001>

<sc_bundles>
// kernel: kernel.4.cloned.1.call-start
scs
__scs_entry_jumppad:
0x0: {  	(pc) =	sbr.rel $0x88, $3  }
0x1: {  	(tag) =	ssettag $0x0;
	lr =	simm.s32 $0x1  }
0x2: {  	[smem:$0x3F9F] =	sst lr;
	_ =	strace $0xD0000000  }
0x3: {  	_ = 	snop  }
0x4: {  	_ = 	snop  }
0x5: {  	_ = 	snop  }
0x6: {  	_ = 	snop  }
0x7: {  	_ = 	snop  }
__scs_overlays_trampoline_lowered:
0x8: {  	[smem:$0x3FAE] =	sst s0  }
0x9: {  	[smem:$0x3FAF] =	sst s1  }
0xa: {  	[smem:$0x3FB0] =	sst s2  }
0xb: {  	[smem:$0x3FB1] =	sst s3  }
0xc: {  	[smem:$0x3FB2] =	sst s4  }
0xd: {  	[smem:$0x3FB3] =	sst s5  }
0xe: {  	[smem:$0x3FB4] =	sst s6  }
0xf: {  	[smem:$0x3FB5] =	sst s7  }
0x10: {  	[smem:$0x3FB6] =	sst s8  }
0x11: {  	[smem:$0x3FB7] =	sst s9;
	s0 =	simm.s32 @!p0 $0x0  }
0x12: {  	s1 =	sld [smem:$0x3F9D];
	s0 =	simm.s32 @p0 $0x1  }
0x13: {  	[smem:$0x3FB8] =	sst s0;
	s0 =	simm.s32 @!p1 $0x0  }
0x14: {  	s2 =	sld [smem:$0x3F9C];
	s0 =	simm.s32 @p1 $0x1  }
0x15: {  	[smem:$0x3FB9] =	sst s0;
	s0 =	simm.s32 @!p2 $0x0  }
0x16: {  	s3 =	sld [smem:$0x3FDB];
	s0 =	simm.s32 @p2 $0x1  }
0x17: {  	s4 =	simm.s32 $0x1BF5;
	[smem:$0x3FBB] =	sst s0  }
0x18: {  	s0 =	sld [smem:$0x3F9E];
	_ =	swait.ge [sflag:s4], $0x0  }
0x19: {  	s7 =	sld [smem:$0x3F9F]  }
0x1a: {  	s8 =	sadd.s32 $0xFFFFE003, lr  }
0x1b: {  	s9 =	sadd.s32 $0xFFFFFEF7, lr;
	s5 =	simm.s32 $0xFFFFFFFF;
	p2 =	slt.u32 s8, $0xFFFFF086  }
0x1c: {  	p1 =	slt.u32 s9, $0xF7A;
	s5 =	simm.s32 @!p2 $0x0  }
0x1d: {  	s5 =	simm.s32 @p1 $0x1;
	p0 =	seq.s32 s7, s2  }
0x1e: {  	s7 =	smul.u32 @!p0 $0xF7A, s2;
	p2 =	seq.s32 @!p0 s5, $0x0  }
0x1f: {  	s9 =	smul.u32 $0xF7A, s1;
	s8 =	simm.s32 @!p0 $0x1BF5;
	p2 =	por !p2, p0  }
0x20: {  	[sflag:s8] =	ssyncset.s32 @!p0 $0xFFFFF086;
	s6 =	sadd.s32 @!p0 s3, s7;
	s7 =	simm.s32 @!p0 $0x108  }
0x21: {  	s3 =	sadd.s32 s3, s9;
	s6 =	sadd.s32 @!p0 $0x88, s6;
	s7 =	simm.s32 @p2 $0x1082  }
0x22: {  	[simem:s7], [sflag:s8] =	dma.local @!p0 [hbm:s6], $0xF7A  }
0x23: {  	s9 =	sor.u32 $0xD0000000, s2;
	s6 =	simm.s32 $0x108;
	_ =	swait.ge @!p0 [sflag:s8], $0x0  }
0x24: {  	s3 =	sadd.s32 $0x88, s3;
	s6 =	simm.s32 @!p1 $0x1082;
	[sflag:s4] =	ssyncset.s32 $0xFFFFF086  }
0x25: {  	[simem:s6], [sflag:s4] =	dma.local [hbm:s3], $0xF7A  }
0x26: {  	[smem:$0x3F9F] =	sst s1;
	(tag) =	ssettag s2;
	_ =	strace s9  }
0x27: {  	s1 =	sld [smem:$0x3FAF]  }
0x28: {  	s2 =	sld [smem:$0x3FB0]  }
0x29: {  	s4 =	sld [smem:$0x3FB2]  }
0x2a: {  	p0 =	seq.s32 s5, $0x0;
	s5 =	sld [smem:$0x3FB3]  }
0x2b: {  	s6 =	sld [smem:$0x3FB4]  }
0x2c: {  	s7 =	sld [smem:$0x3FB5]  }
0x2d: {  	s3 =	simm.s32 $0x108;
	s8 =	sld [smem:$0x3FB6]  }
0x2e: {  	s3 =	simm.s32 @!p0 $0x1082;
	s9 =	sld [smem:$0x3FB7]  }
0x2f: {  	lr =	sadd.s32 s0, s3;
	s0 =	sld [smem:$0x3FAE]  }
0x30: {  	s3 =	sld [smem:$0x3FB1]  }
0x31: {  	[smem:$0x3FBA] =	sst s10  }
0x32: {  	s10 =	sld [smem:$0x3FB8];
	_ =	sdelay $0x3  }
0x33: {  	p0 =	seq.s32 s10, $0x1;
	s10 =	sld [smem:$0x3FBA];
	_ =	sdelay $0x3  }
0x34: {  	[smem:$0x3FBA] =	sst s10  }
0x35: {  	s10 =	sld [smem:$0x3FB9];
	_ =	sdelay $0x3  }
0x36: {  	p1 =	seq.s32 s10, $0x1;
	s10 =	sld [smem:$0x3FBA];
	_ =	sdelay $0x3  }
0x37: {  	[smem:$0x3FBA] =	sst s10  }
0x38: {  	s10 =	sld [smem:$0x3FBB]  }
0x39: {  	_ = 	snop;
	(pc) =	sbr.ind lr, $3  }
0x3a: {  	_ = 	snop  }
0x3b: {  	_ = 	snop  }
0x3c: {  	p2 =	seq.s32 s10, $0x1;
	s10 =	sld [smem:$0x3FBA]  }
0x3d: {  	_ =	shalt  }
0x3e: {  	_ =	shalt  }
0x3f: {  	_ =	shalt  }
0x40: {  	_ =	shalt  }
0x41: {  	_ =	shalt  }
0x42: {  	_ =	shalt  }
0x43: {  	_ =	shalt  }
0x44: {  	_ =	shalt  }
0x45: {  	_ =	shalt  }
0x46: {  	_ =	shalt  }
0x47: {  	_ =	shalt  }
0x48: {  	_ =	shalt  }
0x49: {  	_ =	shalt  }
0x4a: {  	_ =	shalt  }
0x4b: {  	_ =	shalt  }
0x4c: {  	_ =	shalt  }
0x4d: {  	_ =	shalt  }
0x4e: {  	_ =	shalt  }
0x4f: {  	_ =	shalt  }
0x50: {  	_ =	shalt  }
0x51: {  	_ =	shalt  }
0x52: {  	_ =	shalt  }
0x53: {  	_ =	shalt  }
0x54: {  	_ =	shalt  }
0x55: {  	_ =	shalt  }
0x56: {  	_ =	shalt  }
0x57: {  	_ =	shalt  }
0x58: {  	_ =	shalt  }
0x59: {  	_ =	shalt  }
0x5a: {  	_ =	shalt  }
0x5b: {  	_ =	shalt  }
0x5c: {  	_ =	shalt  }
0x5d: {  	_ =	shalt  }
0x5e: {  	_ =	shalt  }
0x5f: {  	_ =	shalt  }
0x60: {  	_ =	shalt  }
0x61: {  	_ =	shalt  }
0x62: {  	_ =	shalt  }
0x63: {  	_ =	shalt  }
0x64: {  	_ =	shalt  }
0x65: {  	_ =	shalt  }
0x66: {  	_ =	shalt  }
0x67: {  	_ =	shalt  }
0x68: {  	_ =	shalt  }
0x69: {  	_ =	shalt  }
0x6a: {  	_ =	shalt  }
0x6b: {  	_ =	shalt  }
0x6c: {  	_ =	shalt  }
0x6d: {  	_ =	shalt  }
0x6e: {  	_ =	shalt  }
0x6f: {  	_ =	shalt  }
0x70: {  	_ =	shalt  }
0x71: {  	_ =	shalt  }
0x72: {  	_ =	shalt  }
0x73: {  	_ =	shalt  }
0x74: {  	_ =	shalt  }
0x75: {  	_ =	shalt  }
0x76: {  	_ =	shalt  }
0x77: {  	_ =	shalt  }
0x78: {  	_ =	shalt  }
0x79: {  	_ =	shalt  }
0x7a: {  	_ =	shalt  }
0x7b: {  	_ =	shalt  }
0x7c: {  	_ =	shalt  }
0x7d: {  	_ =	shalt  }
0x7e: {  	_ =	shalt  }
0x7f: {  	_ =	shalt  }
0x80: {  	_ =	shalt  }
0x81: {  	_ =	shalt  }
0x82: {  	_ =	shalt  }
0x83: {  	_ =	shalt  }
0x84: {  	_ =	shalt  }
0x85: {  	_ =	shalt  }
0x86: {  	_ =	shalt  }
0x87: {  	_ =	shalt  }
.Lfunc_end0:
.L_simem_size_0:
called_computation_lowered:
.L_overlay_start_0:
0x88: {  	s2 =	sld [smem:$0x3FD9]  }
0x89: {  	s3 =	sld [smem:$0x3FFE];
	_ =	sdelay $0x1  }
0x8a: {  	s1 =	srdreg.scid  }
0x8b: {  	s0 =	sand.u32 $0x1, s1  }
0x8c: {  	s14 =	sshll.u32 s0, $0xA;
	s2 =	sadd.s32 s3, s2  }
0x8d: {  	s2 =	sadd.s32 s2, s14  }
0x8e: {  	[smem:$0x3FC6] =	sst s2  }
0x8f: {  	_ = 	snop  }
0x90: {  	s2 =	sld [smem:$0x3FD0];
	_ =	sdelay $0x2  }
0x91: {  	s15 =	simm.s32 $0xA;
	s4 =	simm.s32 $0x10  }
0x92: {  	[smem:s4], [sflag:s15] =	dma.local [hbm:s2], $0x1  }
0x93: {  	_ =	swait.eq [sflag:s15], $0x1  }
0x94: {  	[sflag:s15] =	ssyncset.done $0x0  }
0x95: {  	s16 =	sld [smem:$0x10];
	[sflag:s15] =	ssyncadd.s32 $0xFFFFFFFF  }
0x96: {  	s17 =	sld [smem:$0x11];
	(tm) =	ssettm $0x1  }
0x97: {  	s18 =	sld [smem:$0x3FFB];
	_ =	sdelay $0x3  }
0x98: {  	_ =	strace s18  }
0x99: {  	s4 =	sld [smem:$0x3FFC];
	_ =	sdelay $0x3  }
0x9a: {  	_ =	strace s4  }
0x9b: {  	s4 =	sld [smem:$0x3FFD];
	_ =	sdelay $0x3  }
0x9c: {  	_ =	strace s4  }
0x9d: {  	_ =	strace $0x8FFFFFFF  }
0x9e: {  	s19 =	sld [smem:$0x3FDB];
	_ =	sdelay $0x1  }
0x9f: {  	s5 =	simm.s32 $_scs_section_size  }
0xa0: {  	s6 =	simm.s32 $_size__tile_overlayer_lowered;
	s7 =	simm.s32 $_tile_overlayer_lowered  }
0xa1: {  	s22 =	simm.s32 $0x1BFF;
	s21 =	sshll.u32 s7, $0x1;
	s4 =	sadd.s32 s5, s19  }
0xa2: {  	s8 =	simm.s32 $0x0;
	s20 =	sshll.u32 s6, $0x1;
	s6 =	sadd.s32 s21, s4  }
0xa3: {  	[timem:s8], [sflag:s22] =	dma.local [hbm:s6], s20  }
0xa4: {  	_ =	swait.ge [sflag:s22], s20  }
0xa5: {  	s5 =	ssub.s32 $0x0, s20;
	[sflag:s22] =	ssyncset.done $0x0  }
0xa6: {  	[sflag:s22] =	ssyncadd.s32 s5;
	_ =	sdelay $0x1  }
0xa7: {  	s23 =	simm.s32 $0x1B8B  }
0xa8: {  	_ =	swait.ge [sflag:s23], $0x1  }
0xa9: {  	[sflag:s23] =	ssyncset.done $0x0  }
0xaa: {  	s25 =	simm.s32 $0x1B8E;
	s24 =	sld [smem:$0x3FFE];
	[sflag:s23] =	ssyncadd.s32 $0xFFFFFFFF  }
0xab: {  	s26 =	simm.s32 $execute0_lowered;
	[smem:$0x3FD2] =	sst s25  }
0xac: {  	s6 =	sshll.u32 s26, $0x1;
	_ =	strace $0x80000046;
	[dreg:$0x1] =	wrdreg $0xFFFFFFFF  }
0xad: {  	s28 =	simm.s32 $_size_execute0_lowered;
	s4 =	sadd.s32 s4, s6;
	[dreg:$0x0] =	wrdreg $0x0  }
0xae: {  	s6 =	sshll.u32 s28, $0x1;
	[dreg:$0x2] =	wrdreg s4  }
0xaf: {  	[dreg:$0x3] =	wrdreg s6  }
0xb0: {  	[dreg:$0x4] =	wrdreg $0xC0  }
0xb1: {  	_ =	task [dreg:s8], $0x5FFFF  }
0xb2: {  	[dreg:$0x1] =	wrdreg $0xFFFFFFFF  }
0xb3: {  	[dreg:$0x0] =	wrdreg $0x60  }
0xb4: {  	[dreg:$0x2] =	wrdreg s16  }
0xb5: {  	[dreg:$0x3] =	wrdreg s17  }
0xb6: {  	[dreg:$0x4] =	wrdreg s24  }
0xb7: {  	[dreg:$0x5] =	wrdreg $0x9  }
0xb8: {  	_ =	task.clear_ibuf [dreg:s8], $0x6FFFF;
	_ =	strace $0x90000046  }
0xb9: {  	s29 =	simm.s32 $0x9;
	_ =	strace $0x80000048  }
0xba: {  	_ =	swait.ge [sflag:s29], $0x1  }
0xbb: {  	[sflag:s29] =	ssyncadd.s32 $0xFFFFFFFF  }
0xbc: {  	_ =	strace $0x90000048  }
0xbd: {  	_ =	sfence  }
0xbe: {  	s30 =	sld [smem:$0x0];
	_ =	sdelay $0x2  }
0xbf: {  	s31 =	sshll.u32 s1, $0xD;
	s1 =	sshrl.u32 s1, $0x2  }
0xc0: {  	s3 =	sand.u32 $0x4000, s31;
	s1 =	sadd.s32 s1, s30  }
0xc1: {  	s0 =	sor.u32 s3, s0;
	s1 =	sshll.u32 s1, $0x11  }
0xc2: {  	s0 =	sor.u32 s1, s0  }
0xc3: {  	s0 =	sadd.s32 $0x8F2B, s0  }
0xc4: {  	[sflag:s0] =	ssyncadd.remote.s32 $0x1  }
0xc5: {  	_ =	sfence.sel $0xFFFF  }
0xc6: {  	[dreg:$0x0] =	wrdreg $0xFFFFFFFF;
	(pc) =	sbr.abs _section_cstart, $3  }
0xc7: {  	[dreg:$0x1] =	wrdreg $0xFFFFFFFF  }
0xc8: {  	_ =	task.clear_ibuf [dreg:s8], $0x2FFFF;
	_ =	strace $0x9FFFFFFF  }
0xc9: {  	(tm) =	ssettm $0x7FFFFFFF  }
tec
execute0_lowered:
.L_overlay_start_1:
0x0: {  	(tag) =	ssettag $0x1  }
0x1: {  	s1 =	rddreg [dreg:$0x0];
	s2 =	srdreg.scid  }
0x2: {  	s4 =	rddreg [dreg:$0x1];
	s0 =	stileid.u32;
	s10 =	sand.u32 $0x1, s2  }
0x3: {  	s11 =	rddreg [dreg:$0x2];
	s5 =	sshll.u32 s0, $0x9;
	s6 =	sshll.u32 s10, $0x8  }
0x4: {  	s3 =	simm.s32 $0x0;
	s2 =	rddreg [dreg:$0x3];
	s12 =	sor.u32 s6, s5  }
0x5: {  	[smem:$0x7FF] =	sst s3;
	s5 =	sshrl.u32 s12, $0x3  }
0x6: {  	_ =	strace $0x80000047;
	s5 =	sadd.s32 s4, s5;
	s4 =	simm.s32 $0x2  }
0x7: {  	[tilespmem:s3], [sflag:$0x2] =	stream.linear.gather [hbm4b:s5+s3], $0x100, $0x38;
	[tilespmem:$0x8100] =	vst v63  }
0x8: {  	_ =	swait.ge [sflag:s4], $0x100  }
0x9: {  	s7 =	simm.s32 $0x100;
	[sflag:s4] =	ssyncset.done $0x0  }
0xa: {  	s8 =	simm.s32 $0x1;
	s6 =	simm.s32 $0x80;
	[sflag:s4] =	ssyncadd.s32 $0xFFFFFF00  }
0xb: {  	[tilespmem:s7], [sflag:$0x1] =	stream.indirect.gather [hbm4b:s1+s6], $0x80, s3, s6, $0xb8;
	[tilespmem:$0x8100] =	vst v63  }
0xc: {  	_ =	swait.ge [sflag:s8], $0x4000  }
0xd: {  	[sflag:s8] =	ssyncset.done $0x0  }
0xe: {  	s9 =	simm.s32 $0x4100;
	s31 =	ssub.s32 $0x2, s10;
	[sflag:s8] =	ssyncadd.s32 $0xFFFFC000  }
0xf: {  	[tilespmem:s9], [sflag:$0x1] =	stream.indirect.gather [hbm4b:s1+s6], $0x80, s6, s6, $0xb8;
	[tilespmem:$0x8100] =	vst v63  }
0x10: {  	s13 =	sshrl.u32 s31, $0x1;
	s12 =	sshll.u32 s12, $0x4;
	_ =	swait.ge [sflag:s8], $0x4000  }
0x11: {  	s11 =	sadd.s32 s12, s11;
	s12 =	ssub.s32 s31, s13;
	[sflag:s8] =	ssyncset.done $0x0  }
0x12: {  	s10 =	sadd.s32 $0x800, s11;
	s12 =	smax.u32 s12, $0x1;
	[sflag:s8] =	ssyncadd.s32 $0xFFFFC000  }
0x13: {  	[hbm4b:s10+s3] =	stream.linear.scatter [tilespmem:s7], [sflag:$0x2], $0x4000, $0x38;
	[tilespmem:$0x8100] =	vst v63  }
0x14: {  	p0 =	sne.s32 s12, $0x1;
	_ =	swait.ge [sflag:s4], $0x4000  }
.Ltmp0:
0x15: {  	[sflag:s4] =	ssyncset.done $0x0;
	(pc) =	sbr.rel @!p0 .LBB2_2-.Ltmp0, $4  }
0x16: {  	s11 =	sadd.s32 $0x1000, s11;
	[sflag:s4] =	ssyncadd.s32 $0xFFFFC000  }
0x17: {  	[hbm4b:s11+s3] =	stream.linear.scatter [tilespmem:s9], [sflag:$0x2], $0x4000, $0x38;
	[tilespmem:$0x8100] =	vst v63  }
0x18: {  	_ =	swait.ge [sflag:s4], $0x4000  }
0x19: {  	s12 =	sadd.s32 $0xFFFFFFFF, s12;
	[sflag:s4] =	ssyncset.done $0x0  }
.LBB2_1:
0x1a: {  	p0 =	sne.s32 s12, $0x1;
	s12 =	sadd.s32 $0xFFFFFFFF, s12;
	[sflag:s4] =	ssyncadd.s32 $0xFFFFC000  }
0x1b: {  	[tilespmem:s3], [sflag:$0x2] =	stream.linear.gather [hbm4b:s5+s3], $0x100, $0x38;
	[tilespmem:$0x8100] =	vst v63  }
0x1c: {  	_ =	swait.ge [sflag:s4], $0x100  }
0x1d: {  	[sflag:s4] =	ssyncset.done $0x0  }
0x1e: {  	[sflag:s4] =	ssyncadd.s32 $0xFFFFFF00  }
0x1f: {  	[tilespmem:s7], [sflag:$0x1] =	stream.indirect.gather [hbm4b:s1+s6], $0x80, s3, s6, $0xb8;
	[tilespmem:$0x8100] =	vst v63  }
0x20: {  	_ =	swait.ge [sflag:s8], $0x4000  }
0x21: {  	[sflag:s8] =	ssyncset.done $0x0  }
0x22: {  	[sflag:s8] =	ssyncadd.s32 $0xFFFFC000  }
0x23: {  	[tilespmem:s9], [sflag:$0x1] =	stream.indirect.gather [hbm4b:s1+s6], $0x80, s6, s6, $0xb8;
	[tilespmem:$0x8100] =	vst v63  }
0x24: {  	_ =	swait.ge [sflag:s8], $0x4000  }
0x25: {  	[sflag:s8] =	ssyncset.done $0x0  }
0x26: {  	[sflag:s8] =	ssyncadd.s32 $0xFFFFC000  }
0x27: {  	[hbm4b:s10+s3] =	stream.linear.scatter [tilespmem:s7], [sflag:$0x2], $0x4000, $0x38;
	[tilespmem:$0x8100] =	vst v63  }
0x28: {  	_ =	swait.ge [sflag:s4], $0x4000  }
.Ltmp1:
0x29: {  	[sflag:s4] =	ssyncset.done $0x0;
	(pc) =	sbr.rel @p0 .LBB2_1-.Ltmp1, $4  }
0x2a: {  	[sflag:s4] =	ssyncadd.s32 $0xFFFFC000  }
0x2b: {  	[hbm4b:s11+s3] =	stream.linear.scatter [tilespmem:s9], [sflag:$0x2], $0x4000, $0x38;
	[tilespmem:$0x8100] =	vst v63  }
0x2c: {  	_ =	swait.ge [sflag:s4], $0x4000  }
0x2d: {  	[sflag:s4] =	ssyncset.done $0x0  }
.LBB2_2:
0x2e: {  	[sflag:s4] =	ssyncadd.s32 $0xFFFFC000  }
0x2f: {  	_ =	sfence.sel $0x180000  }
0x30: {  	[bflag:$0x0] =	sbarrier.arrive $0xFFFF  }
0x31: {  	p0 =	sne.s32 s0, $0x0;
	_ =	strace $0x90000047  }
0x32: {  	s0 =	sadd.s32 @!p0 $0x100000, s2;
	[bflag:$0x2] =	sbarrier.arrive $0xFFFF  }
0x33: {  	[sflag:s0] =	ssyncadd.tile.s32 @!p0 $0x1;
	_ =	shalt  }
.Lfunc_end2:
_tile_overlayer_lowered:
.L_overlay_start_2:
0x34: {  	(tag) =	ssettag $0x2  }
0x35: {  	s0 =	rddreg [dreg:$0x0];
	s2 =	stileid.u32  }
0x36: {  	s1 =	rddreg [dreg:$0x1];
	p0 =	sne.s32 s2, $0x0  }
0x37: {  	s3 =	rddreg [dreg:$0x2];
	[bflag:$0x3] =	sbarrier.arrive $0xFFFF;
	s2 =	simm.s32 @!p0 $0x1C02  }
0x38: {  	[timem:s3], [sflag:s2] =	dma.local @!p0 [hbm:s0], s1  }
0x39: {  	s0 =	simm.s32 @!p0 $0x2  }
0x3a: {  	_ =	swait.ge @!p0 [sflag:s0], s1  }
0x3b: {  	s1 =	ssub.s32 @!p0 $0x0, s1;
	[sflag:s0] =	ssyncset.done @!p0 $0x0  }
0x3c: {  	[sflag:s0] =	ssyncadd.s32 @!p0 s1  }
0x3d: {  	[bflag:$0x3] =	sbarrier.arrive $0xFFFF  }
0x3e: {  	_ =	shalt  }

</sc_bundles>
